<compile_context>
chip_gen: v7x
topology: tpu7x:2x2x1
jax: 0.10.2.dev20260603
libtpu: 0.0.44.dev20260713+nightly
codegen_flags: <defaults>
</compile_context>

<pallas_src>
import functools

import jax
import jax.numpy as jnp
from jax import lax
from jax.experimental import pallas as pl
from jax.experimental.pallas import tpu as pltpu
from jax.experimental.pallas import tpu_sc as plsc

POS = 0
CHUNKS = 4


def _sc_copy_kernel(rows_per_worker, num_cores, k_hbm, v_hbm, ok_hbm, ov_hbm,
                    kbuf, vbuf, sem_in, sem_out):
    wid = lax.axis_index("s") * num_cores + lax.axis_index("c")
    base = wid * rows_per_worker
    chunk = rows_per_worker // CHUNKS
    units = []
    for c in range(CHUNKS):
        gsl = pl.ds(base + c * chunk, chunk)
        lsl = pl.ds(c * chunk, chunk)
        units.append((k_hbm, ok_hbm, kbuf, gsl, lsl))
        units.append((v_hbm, ov_hbm, vbuf, gsl, lsl))
    ins = [pltpu.make_async_copy(src.at[gsl], buf.at[lsl], sem_in)
           for src, dst, buf, gsl, lsl in units]
    outs = [pltpu.make_async_copy(buf.at[lsl], dst.at[gsl], sem_out)
            for src, dst, buf, gsl, lsl in units]
    for cp in ins:
        cp.start()
    for cp_in, cp_out in zip(ins, outs):
        cp_in.wait()
        cp_out.start()
    for cp_out in outs:
        cp_out.wait()


def kernel(k_val, v_val, k_cache, v_cache):
    b, h, seq_len, d = k_val.shape
    new_seq_len = POS + seq_len
    assert new_seq_len <= k_cache.shape[2]

    info = plsc.get_sparse_core_info()
    num_workers = info.num_cores * info.num_subcores
    rows = b * h * seq_len
    assert rows % (num_workers * CHUNKS) == 0
    rows_per_worker = rows // num_workers

    k_flat = k_val.reshape(rows, d)
    v_flat = v_val.reshape(rows, d)

    out_type = (
        jax.ShapeDtypeStruct((rows, d), k_val.dtype),
        jax.ShapeDtypeStruct((rows, d), v_val.dtype),
    )
    mesh = plsc.VectorSubcoreMesh(core_axis_name="c", subcore_axis_name="s")
    run = pl.kernel(
        functools.partial(_sc_copy_kernel, rows_per_worker, info.num_cores),
        mesh=mesh,
        out_type=out_type,
        scratch_types=[
            pltpu.VMEM((rows_per_worker, d), k_val.dtype),
            pltpu.VMEM((rows_per_worker, d), v_val.dtype),
            pltpu.SemaphoreType.DMA,
            pltpu.SemaphoreType.DMA,
        ],
    )
    ok, ov = run(k_flat, v_flat)
    return (
        ok.reshape(b, h, new_seq_len, d),
        ov.reshape(b, h, new_seq_len, d),
    )

# --- scband reference (transcript-rebuilt; emitter-appended) ---
"""Pipeline reference for scband-kvcache-25769803776711 (READ-ONLY COPY).

The authoritative reference and input builder live on the scoring server;
editing this copy changes nothing except your own understanding.
"""

import jax, jax.numpy as jnp
import numpy as np

B, H, MAX_S, D = 16, 16, 2048, 128
Q = 16
POS = 0  # module starts with current_seq_len = 0


def setup_inputs(seed: int = 0) -> dict:
    key = jax.random.key(seed)
    k1, k2 = jax.random.split(key)
    return {
        "k_val": jax.random.normal(k1, (B, H, Q, D), dtype=jnp.float32),
        "v_val": jax.random.normal(k2, (B, H, Q, D), dtype=jnp.float32),
        "k_cache": jnp.zeros((B, H, MAX_S, D), dtype=jnp.float32),
        "v_cache": jnp.zeros((B, H, MAX_S, D), dtype=jnp.float32),
    }


def reference(k_val, v_val, k_cache, v_cache):
    # KVCache.update: scatter-overwrite k_val/v_val into the cache at
    # positions [POS, POS + seq_len), then return the valid prefix.
    seq_len = k_val.shape[2]
    assert seq_len == v_val.shape[2]
    new_seq_len = POS + seq_len
    assert new_seq_len <= k_cache.shape[2]
    k_cache = jax.lax.dynamic_update_slice(k_cache, k_val, (0, 0, POS, 0))
    v_cache = jax.lax.dynamic_update_slice(v_cache, v_val, (0, 0, POS, 0))
    return (k_cache[:, :, :new_seq_len], v_cache[:, :, :new_seq_len])

if __name__ == "__main__":
    import jax
    _d = setup_inputs()
    print(jax.jit(kernel)(*tuple(_d.values())))

</pallas_src>

<mosaic_0001>
#map = affine_map<(d0, d1) -> (0, 0)>
module attributes {stable_mosaic.version = 14 : i64} {
  func.func @_sc_copy_kernel(%arg0: i32, %arg1: i32, %arg2: memref<4096x128xf32, #tpu.memory_space<hbm>>, %arg3: memref<4096x128xf32, #tpu.memory_space<hbm>>, %arg4: memref<4096x128xf32, #tpu.memory_space<hbm>>, %arg5: memref<4096x128xf32, #tpu.memory_space<hbm>>, %arg6: memref<128x128xf32, #tpu.memory_space<vmem>>, %arg7: memref<128x128xf32, #tpu.memory_space<vmem>>, %arg8: memref<!tpu.dma_semaphore, #tpu.memory_space<semaphore_mem>>, %arg9: memref<!tpu.dma_semaphore, #tpu.memory_space<semaphore_mem>>) attributes {dimension_semantics = [#tpu.dimension_semantics<core_parallel>, #tpu.dimension_semantics<subcore_parallel>], iteration_bounds = array<i64: 2, 16>, scalar_prefetch = 0 : i64, scratch_operands = 4 : i64, tpu.core_type = #tpu.core_type<sc_vector_subcore>, window_params = [{transform_indices = #map}, {transform_indices = #map}, {transform_indices = #map}, {transform_indices = #map}]} {
    %mul3A = arith.constant 2 : i32
    %mul3A_0 = arith.muli %arg1, %mul3A : i32
    %add3A = arith.addi %mul3A_0, %arg0 : i32
    %mul3A_1 = arith.constant 128 : i32
    %mul3A_2 = arith.muli %add3A, %mul3A_1 : i32
    %add3A_3 = arith.constant 0 : i32
    %add3A_4 = arith.addi %mul3A_2, %add3A_3 : i32
    %add3A_5 = arith.constant 32 : i32
    %add3A_6 = arith.addi %mul3A_2, %add3A_5 : i32
    %add3A_7 = arith.constant 64 : i32
    %add3A_8 = arith.addi %mul3A_2, %add3A_7 : i32
    %add3A_9 = arith.constant 96 : i32
    %add3A_10 = arith.addi %mul3A_2, %add3A_9 : i32
    %dma_start3A = arith.constant 0 : i32
    %dma_start3A_11 = arith.constant 0 : i32
    %dma_start3A_12 = tpu.memref_slice %arg6[%dma_start3A, %dma_start3A_11] : memref<128x128xf32, #tpu.memory_space<vmem>> -> memref<32x128xf32, #tpu.memory_space<vmem>>
    %dma_start3A_13 = arith.constant 0 : i32
    %dma_start3A_14 = tpu.memref_slice %arg2[%add3A_4, %dma_start3A_13] : memref<4096x128xf32, #tpu.memory_space<hbm>> -> memref<32x128xf32, #tpu.memory_space<hbm>>
    %dma_start3A_15 = arith.constant 0 : i32
    %dma_start3A_16 = arith.constant 0 : i32
    %dma_start3A_17 = tpu.memref_slice %arg6[%dma_start3A_15, %dma_start3A_16] : memref<128x128xf32, #tpu.memory_space<vmem>> -> memref<32x128xf32, #tpu.memory_space<vmem>>
    %dma_start3A_18 = arith.constant 0 : i32
    %dma_start3A_19 = tpu.memref_slice %arg2[%add3A_4, %dma_start3A_18] : memref<4096x128xf32, #tpu.memory_space<hbm>> -> memref<32x128xf32, #tpu.memory_space<hbm>>
    tpu.enqueue_dma source(%dma_start3A_19 : memref<32x128xf32, #tpu.memory_space<hbm>>) target(%dma_start3A_17 : memref<32x128xf32, #tpu.memory_space<vmem>>) target_semaphore(%arg8 : memref<!tpu.dma_semaphore, #tpu.memory_space<semaphore_mem>>)
    %dma_start3A_20 = arith.constant 0 : i32
    %dma_start3A_21 = arith.constant 0 : i32
    %dma_start3A_22 = tpu.memref_slice %arg7[%dma_start3A_20, %dma_start3A_21] : memref<128x128xf32, #tpu.memory_space<vmem>> -> memref<32x128xf32, #tpu.memory_space<vmem>>
    %dma_start3A_23 = arith.constant 0 : i32
    %dma_start3A_24 = tpu.memref_slice %arg3[%add3A_4, %dma_start3A_23] : memref<4096x128xf32, #tpu.memory_space<hbm>> -> memref<32x128xf32, #tpu.memory_space<hbm>>
    %dma_start3A_25 = arith.constant 0 : i32
    %dma_start3A_26 = arith.constant 0 : i32
    %dma_start3A_27 = tpu.memref_slice %arg7[%dma_start3A_25, %dma_start3A_26] : memref<128x128xf32, #tpu.memory_space<vmem>> -> memref<32x128xf32, #tpu.memory_space<vmem>>
    %dma_start3A_28 = arith.constant 0 : i32
    %dma_start3A_29 = tpu.memref_slice %arg3[%add3A_4, %dma_start3A_28] : memref<4096x128xf32, #tpu.memory_space<hbm>> -> memref<32x128xf32, #tpu.memory_space<hbm>>
    tpu.enqueue_dma source(%dma_start3A_29 : memref<32x128xf32, #tpu.memory_space<hbm>>) target(%dma_start3A_27 : memref<32x128xf32, #tpu.memory_space<vmem>>) target_semaphore(%arg8 : memref<!tpu.dma_semaphore, #tpu.memory_space<semaphore_mem>>)
    %dma_start3A_30 = arith.constant 32 : i32
    %dma_start3A_31 = arith.constant 0 : i32
    %dma_start3A_32 = tpu.memref_slice %arg6[%dma_start3A_30, %dma_start3A_31] : memref<128x128xf32, #tpu.memory_space<vmem>> -> memref<32x128xf32, #tpu.memory_space<vmem>>
    %dma_start3A_33 = arith.constant 0 : i32
    %dma_start3A_34 = tpu.memref_slice %arg2[%add3A_6, %dma_start3A_33] : memref<4096x128xf32, #tpu.memory_space<hbm>> -> memref<32x128xf32, #tpu.memory_space<hbm>>
    %dma_start3A_35 = arith.constant 32 : i32
    %dma_start3A_36 = arith.constant 0 : i32
    %dma_start3A_37 = tpu.memref_slice %arg6[%dma_start3A_35, %dma_start3A_36] : memref<128x128xf32, #tpu.memory_space<vmem>> -> memref<32x128xf32, #tpu.memory_space<vmem>>
    %dma_start3A_38 = arith.constant 0 : i32
    %dma_start3A_39 = tpu.memref_slice %arg2[%add3A_6, %dma_start3A_38] : memref<4096x128xf32, #tpu.memory_space<hbm>> -> memref<32x128xf32, #tpu.memory_space<hbm>>
    tpu.enqueue_dma source(%dma_start3A_39 : memref<32x128xf32, #tpu.memory_space<hbm>>) target(%dma_start3A_37 : memref<32x128xf32, #tpu.memory_space<vmem>>) target_semaphore(%arg8 : memref<!tpu.dma_semaphore, #tpu.memory_space<semaphore_mem>>)
    %dma_start3A_40 = arith.constant 32 : i32
    %dma_start3A_41 = arith.constant 0 : i32
    %dma_start3A_42 = tpu.memref_slice %arg7[%dma_start3A_40, %dma_start3A_41] : memref<128x128xf32, #tpu.memory_space<vmem>> -> memref<32x128xf32, #tpu.memory_space<vmem>>
    %dma_start3A_43 = arith.constant 0 : i32
    %dma_start3A_44 = tpu.memref_slice %arg3[%add3A_6, %dma_start3A_43] : memref<4096x128xf32, #tpu.memory_space<hbm>> -> memref<32x128xf32, #tpu.memory_space<hbm>>
    %dma_start3A_45 = arith.constant 32 : i32
    %dma_start3A_46 = arith.constant 0 : i32
    %dma_start3A_47 = tpu.memref_slice %arg7[%dma_start3A_45, %dma_start3A_46] : memref<128x128xf32, #tpu.memory_space<vmem>> -> memref<32x128xf32, #tpu.memory_space<vmem>>
    %dma_start3A_48 = arith.constant 0 : i32
    %dma_start3A_49 = tpu.memref_slice %arg3[%add3A_6, %dma_start3A_48] : memref<4096x128xf32, #tpu.memory_space<hbm>> -> memref<32x128xf32, #tpu.memory_space<hbm>>
    tpu.enqueue_dma source(%dma_start3A_49 : memref<32x128xf32, #tpu.memory_space<hbm>>) target(%dma_start3A_47 : memref<32x128xf32, #tpu.memory_space<vmem>>) target_semaphore(%arg8 : memref<!tpu.dma_semaphore, #tpu.memory_space<semaphore_mem>>)
    %dma_start3A_50 = arith.constant 64 : i32
    %dma_start3A_51 = arith.constant 0 : i32
    %dma_start3A_52 = tpu.memref_slice %arg6[%dma_start3A_50, %dma_start3A_51] : memref<128x128xf32, #tpu.memory_space<vmem>> -> memref<32x128xf32, #tpu.memory_space<vmem>>
    %dma_start3A_53 = arith.constant 0 : i32
    %dma_start3A_54 = tpu.memref_slice %arg2[%add3A_8, %dma_start3A_53] : memref<4096x128xf32, #tpu.memory_space<hbm>> -> memref<32x128xf32, #tpu.memory_space<hbm>>
    %dma_start3A_55 = arith.constant 64 : i32
    %dma_start3A_56 = arith.constant 0 : i32
    %dma_start3A_57 = tpu.memref_slice %arg6[%dma_start3A_55, %dma_start3A_56] : memref<128x128xf32, #tpu.memory_space<vmem>> -> memref<32x128xf32, #tpu.memory_space<vmem>>
    %dma_start3A_58 = arith.constant 0 : i32
    %dma_start3A_59 = tpu.memref_slice %arg2[%add3A_8, %dma_start3A_58] : memref<4096x128xf32, #tpu.memory_space<hbm>> -> memref<32x128xf32, #tpu.memory_space<hbm>>
    tpu.enqueue_dma source(%dma_start3A_59 : memref<32x128xf32, #tpu.memory_space<hbm>>) target(%dma_start3A_57 : memref<32x128xf32, #tpu.memory_space<vmem>>) target_semaphore(%arg8 : memref<!tpu.dma_semaphore, #tpu.memory_space<semaphore_mem>>)
    %dma_start3A_60 = arith.constant 64 : i32
    %dma_start3A_61 = arith.constant 0 : i32
    %dma_start3A_62 = tpu.memref_slice %arg7[%dma_start3A_60, %dma_start3A_61] : memref<128x128xf32, #tpu.memory_space<vmem>> -> memref<32x128xf32, #tpu.memory_space<vmem>>
    %dma_start3A_63 = arith.constant 0 : i32
    %dma_start3A_64 = tpu.memref_slice %arg3[%add3A_8, %dma_start3A_63] : memref<4096x128xf32, #tpu.memory_space<hbm>> -> memref<32x128xf32, #tpu.memory_space<hbm>>
    %dma_start3A_65 = arith.constant 64 : i32
    %dma_start3A_66 = arith.constant 0 : i32
    %dma_start3A_67 = tpu.memref_slice %arg7[%dma_start3A_65, %dma_start3A_66] : memref<128x128xf32, #tpu.memory_space<vmem>> -> memref<32x128xf32, #tpu.memory_space<vmem>>
    %dma_start3A_68 = arith.constant 0 : i32
    %dma_start3A_69 = tpu.memref_slice %arg3[%add3A_8, %dma_start3A_68] : memref<4096x128xf32, #tpu.memory_space<hbm>> -> memref<32x128xf32, #tpu.memory_space<hbm>>
    tpu.enqueue_dma source(%dma_start3A_69 : memref<32x128xf32, #tpu.memory_space<hbm>>) target(%dma_start3A_67 : memref<32x128xf32, #tpu.memory_space<vmem>>) target_semaphore(%arg8 : memref<!tpu.dma_semaphore, #tpu.memory_space<semaphore_mem>>)
    %dma_start3A_70 = arith.constant 96 : i32
    %dma_start3A_71 = arith.constant 0 : i32
    %dma_start3A_72 = tpu.memref_slice %arg6[%dma_start3A_70, %dma_start3A_71] : memref<128x128xf32, #tpu.memory_space<vmem>> -> memref<32x128xf32, #tpu.memory_space<vmem>>
    %dma_start3A_73 = arith.constant 0 : i32
    %dma_start3A_74 = tpu.memref_slice %arg2[%add3A_10, %dma_start3A_73] : memref<4096x128xf32, #tpu.memory_space<hbm>> -> memref<32x128xf32, #tpu.memory_space<hbm>>
    %dma_start3A_75 = arith.constant 96 : i32
    %dma_start3A_76 = arith.constant 0 : i32
    %dma_start3A_77 = tpu.memref_slice %arg6[%dma_start3A_75, %dma_start3A_76] : memref<128x128xf32, #tpu.memory_space<vmem>> -> memref<32x128xf32, #tpu.memory_space<vmem>>
    %dma_start3A_78 = arith.constant 0 : i32
    %dma_start3A_79 = tpu.memref_slice %arg2[%add3A_10, %dma_start3A_78] : memref<4096x128xf32, #tpu.memory_space<hbm>> -> memref<32x128xf32, #tpu.memory_space<hbm>>
    tpu.enqueue_dma source(%dma_start3A_79 : memref<32x128xf32, #tpu.memory_space<hbm>>) target(%dma_start3A_77 : memref<32x128xf32, #tpu.memory_space<vmem>>) target_semaphore(%arg8 : memref<!tpu.dma_semaphore, #tpu.memory_space<semaphore_mem>>)
    %dma_start3A_80 = arith.constant 96 : i32
    %dma_start3A_81 = arith.constant 0 : i32
    %dma_start3A_82 = tpu.memref_slice %arg7[%dma_start3A_80, %dma_start3A_81] : memref<128x128xf32, #tpu.memory_space<vmem>> -> memref<32x128xf32, #tpu.memory_space<vmem>>
    %dma_start3A_83 = arith.constant 0 : i32
    %dma_start3A_84 = tpu.memref_slice %arg3[%add3A_10, %dma_start3A_83] : memref<4096x128xf32, #tpu.memory_space<hbm>> -> memref<32x128xf32, #tpu.memory_space<hbm>>
    %dma_start3A_85 = arith.constant 96 : i32
    %dma_start3A_86 = arith.constant 0 : i32
    %dma_start3A_87 = tpu.memref_slice %arg7[%dma_start3A_85, %dma_start3A_86] : memref<128x128xf32, #tpu.memory_space<vmem>> -> memref<32x128xf32, #tpu.memory_space<vmem>>
    %dma_start3A_88 = arith.constant 0 : i32
    %dma_start3A_89 = tpu.memref_slice %arg3[%add3A_10, %dma_start3A_88] : memref<4096x128xf32, #tpu.memory_space<hbm>> -> memref<32x128xf32, #tpu.memory_space<hbm>>
    tpu.enqueue_dma source(%dma_start3A_89 : memref<32x128xf32, #tpu.memory_space<hbm>>) target(%dma_start3A_87 : memref<32x128xf32, #tpu.memory_space<vmem>>) target_semaphore(%arg8 : memref<!tpu.dma_semaphore, #tpu.memory_space<semaphore_mem>>)
    %dma_wait3A = arith.constant 0 : i32
    %dma_wait3A_90 = arith.constant 0 : i32
    %dma_wait3A_91 = tpu.memref_slice %arg6[%dma_wait3A, %dma_wait3A_90] : memref<128x128xf32, #tpu.memory_space<vmem>> -> memref<32x128xf32, #tpu.memory_space<vmem>>
    %dma_wait3A_92 = arith.constant 0 : i32
    %dma_wait3A_93 = tpu.memref_slice %arg2[%add3A_4, %dma_wait3A_92] : memref<4096x128xf32, #tpu.memory_space<hbm>> -> memref<32x128xf32, #tpu.memory_space<hbm>>
    %dma_wait3A_94 = arith.constant 0 : i32
    %dma_wait3A_95 = arith.constant 0 : i32
    %dma_wait3A_96 = tpu.memref_slice %arg6[%dma_wait3A_94, %dma_wait3A_95] : memref<128x128xf32, #tpu.memory_space<vmem>> -> memref<32x128xf32, #tpu.memory_space<vmem>>
    %dma_wait3A_97 = arith.constant 0 : i32
    %dma_wait3A_98 = tpu.memref_slice %arg2[%add3A_4, %dma_wait3A_97] : memref<4096x128xf32, #tpu.memory_space<hbm>> -> memref<32x128xf32, #tpu.memory_space<hbm>>
    tpu.wait_dma2 semaphore(%arg8 : memref<!tpu.dma_semaphore, #tpu.memory_space<semaphore_mem>>) src(%dma_wait3A_98 : memref<32x128xf32, #tpu.memory_space<hbm>>) dst(%dma_wait3A_96 : memref<32x128xf32, #tpu.memory_space<vmem>>)
    %dma_start3A_99 = arith.constant 0 : i32
    %dma_start3A_100 = arith.constant 0 : i32
    %dma_start3A_101 = tpu.memref_slice %arg6[%dma_start3A_99, %dma_start3A_100] : memref<128x128xf32, #tpu.memory_space<vmem>> -> memref<32x128xf32, #tpu.memory_space<vmem>>
    %dma_start3A_102 = arith.constant 0 : i32
    %dma_start3A_103 = tpu.memref_slice %arg4[%add3A_4, %dma_start3A_102] : memref<4096x128xf32, #tpu.memory_space<hbm>> -> memref<32x128xf32, #tpu.memory_space<hbm>>
    %dma_start3A_104 = arith.constant 0 : i32
    %dma_start3A_105 = tpu.memref_slice %arg4[%add3A_4, %dma_start3A_104] : memref<4096x128xf32, #tpu.memory_space<hbm>> -> memref<32x128xf32, #tpu.memory_space<hbm>>
    %dma_start3A_106 = arith.constant 0 : i32
    %dma_start3A_107 = arith.constant 0 : i32
    %dma_start3A_108 = tpu.memref_slice %arg6[%dma_start3A_106, %dma_start3A_107] : memref<128x128xf32, #tpu.memory_space<vmem>> -> memref<32x128xf32, #tpu.memory_space<vmem>>
    tpu.enqueue_dma source(%dma_start3A_108 : memref<32x128xf32, #tpu.memory_space<vmem>>) target(%dma_start3A_105 : memref<32x128xf32, #tpu.memory_space<hbm>>) target_semaphore(%arg9 : memref<!tpu.dma_semaphore, #tpu.memory_space<semaphore_mem>>)
    %dma_wait3A_109 = arith.constant 0 : i32
    %dma_wait3A_110 = arith.constant 0 : i32
    %dma_wait3A_111 = tpu.memref_slice %arg7[%dma_wait3A_109, %dma_wait3A_110] : memref<128x128xf32, #tpu.memory_space<vmem>> -> memref<32x128xf32, #tpu.memory_space<vmem>>
    %dma_wait3A_112 = arith.constant 0 : i32
    %dma_wait3A_113 = tpu.memref_slice %arg3[%add3A_4, %dma_wait3A_112] : memref<4096x128xf32, #tpu.memory_space<hbm>> -> memref<32x128xf32, #tpu.memory_space<hbm>>
    %dma_wait3A_114 = arith.constant 0 : i32
    %dma_wait3A_115 = arith.constant 0 : i32
    %dma_wait3A_116 = tpu.memref_slice %arg7[%dma_wait3A_114, %dma_wait3A_115] : memref<128x128xf32, #tpu.memory_space<vmem>> -> memref<32x128xf32, #tpu.memory_space<vmem>>
    %dma_wait3A_117 = arith.constant 0 : i32
    %dma_wait3A_118 = tpu.memref_slice %arg3[%add3A_4, %dma_wait3A_117] : memref<4096x128xf32, #tpu.memory_space<hbm>> -> memref<32x128xf32, #tpu.memory_space<hbm>>
    tpu.wait_dma2 semaphore(%arg8 : memref<!tpu.dma_semaphore, #tpu.memory_space<semaphore_mem>>) src(%dma_wait3A_118 : memref<32x128xf32, #tpu.memory_space<hbm>>) dst(%dma_wait3A_116 : memref<32x128xf32, #tpu.memory_space<vmem>>)
    %dma_start3A_119 = arith.constant 0 : i32
    %dma_start3A_120 = arith.constant 0 : i32
    %dma_start3A_121 = tpu.memref_slice %arg7[%dma_start3A_119, %dma_start3A_120] : memref<128x128xf32, #tpu.memory_space<vmem>> -> memref<32x128xf32, #tpu.memory_space<vmem>>
    %dma_start3A_122 = arith.constant 0 : i32
    %dma_start3A_123 = tpu.memref_slice %arg5[%add3A_4, %dma_start3A_122] : memref<4096x128xf32, #tpu.memory_space<hbm>> -> memref<32x128xf32, #tpu.memory_space<hbm>>
    %dma_start3A_124 = arith.constant 0 : i32
    %dma_start3A_125 = tpu.memref_slice %arg5[%add3A_4, %dma_start3A_124] : memref<4096x128xf32, #tpu.memory_space<hbm>> -> memref<32x128xf32, #tpu.memory_space<hbm>>
    %dma_start3A_126 = arith.constant 0 : i32
    %dma_start3A_127 = arith.constant 0 : i32
    %dma_start3A_128 = tpu.memref_slice %arg7[%dma_start3A_126, %dma_start3A_127] : memref<128x128xf32, #tpu.memory_space<vmem>> -> memref<32x128xf32, #tpu.memory_space<vmem>>
    tpu.enqueue_dma source(%dma_start3A_128 : memref<32x128xf32, #tpu.memory_space<vmem>>) target(%dma_start3A_125 : memref<32x128xf32, #tpu.memory_space<hbm>>) target_semaphore(%arg9 : memref<!tpu.dma_semaphore, #tpu.memory_space<semaphore_mem>>)
    %dma_wait3A_129 = arith.constant 32 : i32
    %dma_wait3A_130 = arith.constant 0 : i32
    %dma_wait3A_131 = tpu.memref_slice %arg6[%dma_wait3A_129, %dma_wait3A_130] : memref<128x128xf32, #tpu.memory_space<vmem>> -> memref<32x128xf32, #tpu.memory_space<vmem>>
    %dma_wait3A_132 = arith.constant 0 : i32
    %dma_wait3A_133 = tpu.memref_slice %arg2[%add3A_6, %dma_wait3A_132] : memref<4096x128xf32, #tpu.memory_space<hbm>> -> memref<32x128xf32, #tpu.memory_space<hbm>>
    %dma_wait3A_134 = arith.constant 32 : i32
    %dma_wait3A_135 = arith.constant 0 : i32
    %dma_wait3A_136 = tpu.memref_slice %arg6[%dma_wait3A_134, %dma_wait3A_135] : memref<128x128xf32, #tpu.memory_space<vmem>> -> memref<32x128xf32, #tpu.memory_space<vmem>>
    %dma_wait3A_137 = arith.constant 0 : i32
    %dma_wait3A_138 = tpu.memref_slice %arg2[%add3A_6, %dma_wait3A_137] : memref<4096x128xf32, #tpu.memory_space<hbm>> -> memref<32x128xf32, #tpu.memory_space<hbm>>
    tpu.wait_dma2 semaphore(%arg8 : memref<!tpu.dma_semaphore, #tpu.memory_space<semaphore_mem>>) src(%dma_wait3A_138 : memref<32x128xf32, #tpu.memory_space<hbm>>) dst(%dma_wait3A_136 : memref<32x128xf32, #tpu.memory_space<vmem>>)
    %dma_start3A_139 = arith.constant 32 : i32
    %dma_start3A_140 = arith.constant 0 : i32
    %dma_start3A_141 = tpu.memref_slice %arg6[%dma_start3A_139, %dma_start3A_140] : memref<128x128xf32, #tpu.memory_space<vmem>> -> memref<32x128xf32, #tpu.memory_space<vmem>>
    %dma_start3A_142 = arith.constant 0 : i32
    %dma_start3A_143 = tpu.memref_slice %arg4[%add3A_6, %dma_start3A_142] : memref<4096x128xf32, #tpu.memory_space<hbm>> -> memref<32x128xf32, #tpu.memory_space<hbm>>
    %dma_start3A_144 = arith.constant 0 : i32
    %dma_start3A_145 = tpu.memref_slice %arg4[%add3A_6, %dma_start3A_144] : memref<4096x128xf32, #tpu.memory_space<hbm>> -> memref<32x128xf32, #tpu.memory_space<hbm>>
    %dma_start3A_146 = arith.constant 32 : i32
    %dma_start3A_147 = arith.constant 0 : i32
    %dma_start3A_148 = tpu.memref_slice %arg6[%dma_start3A_146, %dma_start3A_147] : memref<128x128xf32, #tpu.memory_space<vmem>> -> memref<32x128xf32, #tpu.memory_space<vmem>>
    tpu.enqueue_dma source(%dma_start3A_148 : memref<32x128xf32, #tpu.memory_space<vmem>>) target(%dma_start3A_145 : memref<32x128xf32, #tpu.memory_space<hbm>>) target_semaphore(%arg9 : memref<!tpu.dma_semaphore, #tpu.memory_space<semaphore_mem>>)
    %dma_wait3A_149 = arith.constant 32 : i32
    %dma_wait3A_150 = arith.constant 0 : i32
    %dma_wait3A_151 = tpu.memref_slice %arg7[%dma_wait3A_149, %dma_wait3A_150] : memref<128x128xf32, #tpu.memory_space<vmem>> -> memref<32x128xf32, #tpu.memory_space<vmem>>
    %dma_wait3A_152 = arith.constant 0 : i32
    %dma_wait3A_153 = tpu.memref_slice %arg3[%add3A_6, %dma_wait3A_152] : memref<4096x128xf32, #tpu.memory_space<hbm>> -> memref<32x128xf32, #tpu.memory_space<hbm>>
    %dma_wait3A_154 = arith.constant 32 : i32
    %dma_wait3A_155 = arith.constant 0 : i32
    %dma_wait3A_156 = tpu.memref_slice %arg7[%dma_wait3A_154, %dma_wait3A_155] : memref<128x128xf32, #tpu.memory_space<vmem>> -> memref<32x128xf32, #tpu.memory_space<vmem>>
    %dma_wait3A_157 = arith.constant 0 : i32
    %dma_wait3A_158 = tpu.memref_slice %arg3[%add3A_6, %dma_wait3A_157] : memref<4096x128xf32, #tpu.memory_space<hbm>> -> memref<32x128xf32, #tpu.memory_space<hbm>>
    tpu.wait_dma2 semaphore(%arg8 : memref<!tpu.dma_semaphore, #tpu.memory_space<semaphore_mem>>) src(%dma_wait3A_158 : memref<32x128xf32, #tpu.memory_space<hbm>>) dst(%dma_wait3A_156 : memref<32x128xf32, #tpu.memory_space<vmem>>)
    %dma_start3A_159 = arith.constant 32 : i32
    %dma_start3A_160 = arith.constant 0 : i32
    %dma_start3A_161 = tpu.memref_slice %arg7[%dma_start3A_159, %dma_start3A_160] : memref<128x128xf32, #tpu.memory_space<vmem>> -> memref<32x128xf32, #tpu.memory_space<vmem>>
    %dma_start3A_162 = arith.constant 0 : i32
    %dma_start3A_163 = tpu.memref_slice %arg5[%add3A_6, %dma_start3A_162] : memref<4096x128xf32, #tpu.memory_space<hbm>> -> memref<32x128xf32, #tpu.memory_space<hbm>>
    %dma_start3A_164 = arith.constant 0 : i32
    %dma_start3A_165 = tpu.memref_slice %arg5[%add3A_6, %dma_start3A_164] : memref<4096x128xf32, #tpu.memory_space<hbm>> -> memref<32x128xf32, #tpu.memory_space<hbm>>
    %dma_start3A_166 = arith.constant 32 : i32
    %dma_start3A_167 = arith.constant 0 : i32
    %dma_start3A_168 = tpu.memref_slice %arg7[%dma_start3A_166, %dma_start3A_167] : memref<128x128xf32, #tpu.memory_space<vmem>> -> memref<32x128xf32, #tpu.memory_space<vmem>>
    tpu.enqueue_dma source(%dma_start3A_168 : memref<32x128xf32, #tpu.memory_space<vmem>>) target(%dma_start3A_165 : memref<32x128xf32, #tpu.memory_space<hbm>>) target_semaphore(%arg9 : memref<!tpu.dma_semaphore, #tpu.memory_space<semaphore_mem>>)
    %dma_wait3A_169 = arith.constant 64 : i32
    %dma_wait3A_170 = arith.constant 0 : i32
    %dma_wait3A_171 = tpu.memref_slice %arg6[%dma_wait3A_169, %dma_wait3A_170] : memref<128x128xf32, #tpu.memory_space<vmem>> -> memref<32x128xf32, #tpu.memory_space<vmem>>
    %dma_wait3A_172 = arith.constant 0 : i32
    %dma_wait3A_173 = tpu.memref_slice %arg2[%add3A_8, %dma_wait3A_172] : memref<4096x128xf32, #tpu.memory_space<hbm>> -> memref<32x128xf32, #tpu.memory_space<hbm>>
    %dma_wait3A_174 = arith.constant 64 : i32
    %dma_wait3A_175 = arith.constant 0 : i32
    %dma_wait3A_176 = tpu.memref_slice %arg6[%dma_wait3A_174, %dma_wait3A_175] : memref<128x128xf32, #tpu.memory_space<vmem>> -> memref<32x128xf32, #tpu.memory_space<vmem>>
    %dma_wait3A_177 = arith.constant 0 : i32
    %dma_wait3A_178 = tpu.memref_slice %arg2[%add3A_8, %dma_wait3A_177] : memref<4096x128xf32, #tpu.memory_space<hbm>> -> memref<32x128xf32, #tpu.memory_space<hbm>>
    tpu.wait_dma2 semaphore(%arg8 : memref<!tpu.dma_semaphore, #tpu.memory_space<semaphore_mem>>) src(%dma_wait3A_178 : memref<32x128xf32, #tpu.memory_space<hbm>>) dst(%dma_wait3A_176 : memref<32x128xf32, #tpu.memory_space<vmem>>)
    %dma_start3A_179 = arith.constant 64 : i32
    %dma_start3A_180 = arith.constant 0 : i32
    %dma_start3A_181 = tpu.memref_slice %arg6[%dma_start3A_179, %dma_start3A_180] : memref<128x128xf32, #tpu.memory_space<vmem>> -> memref<32x128xf32, #tpu.memory_space<vmem>>
    %dma_start3A_182 = arith.constant 0 : i32
    %dma_start3A_183 = tpu.memref_slice %arg4[%add3A_8, %dma_start3A_182] : memref<4096x128xf32, #tpu.memory_space<hbm>> -> memref<32x128xf32, #tpu.memory_space<hbm>>
    %dma_start3A_184 = arith.constant 0 : i32
    %dma_start3A_185 = tpu.memref_slice %arg4[%add3A_8, %dma_start3A_184] : memref<4096x128xf32, #tpu.memory_space<hbm>> -> memref<32x128xf32, #tpu.memory_space<hbm>>
    %dma_start3A_186 = arith.constant 64 : i32
    %dma_start3A_187 = arith.constant 0 : i32
    %dma_start3A_188 = tpu.memref_slice %arg6[%dma_start3A_186, %dma_start3A_187] : memref<128x128xf32, #tpu.memory_space<vmem>> -> memref<32x128xf32, #tpu.memory_space<vmem>>
    tpu.enqueue_dma source(%dma_start3A_188 : memref<32x128xf32, #tpu.memory_space<vmem>>) target(%dma_start3A_185 : memref<32x128xf32, #tpu.memory_space<hbm>>) target_semaphore(%arg9 : memref<!tpu.dma_semaphore, #tpu.memory_space<semaphore_mem>>)
    %dma_wait3A_189 = arith.constant 64 : i32
    %dma_wait3A_190 = arith.constant 0 : i32
    %dma_wait3A_191 = tpu.memref_slice %arg7[%dma_wait3A_189, %dma_wait3A_190] : memref<128x128xf32, #tpu.memory_space<vmem>> -> memref<32x128xf32, #tpu.memory_space<vmem>>
    %dma_wait3A_192 = arith.constant 0 : i32
    %dma_wait3A_193 = tpu.memref_slice %arg3[%add3A_8, %dma_wait3A_192] : memref<4096x128xf32, #tpu.memory_space<hbm>> -> memref<32x128xf32, #tpu.memory_space<hbm>>
    %dma_wait3A_194 = arith.constant 64 : i32
    %dma_wait3A_195 = arith.constant 0 : i32
    %dma_wait3A_196 = tpu.memref_slice %arg7[%dma_wait3A_194, %dma_wait3A_195] : memref<128x128xf32, #tpu.memory_space<vmem>> -> memref<32x128xf32, #tpu.memory_space<vmem>>
    %dma_wait3A_197 = arith.constant 0 : i32
    %dma_wait3A_198 = tpu.memref_slice %arg3[%add3A_8, %dma_wait3A_197] : memref<4096x128xf32, #tpu.memory_space<hbm>> -> memref<32x128xf32, #tpu.memory_space<hbm>>
    tpu.wait_dma2 semaphore(%arg8 : memref<!tpu.dma_semaphore, #tpu.memory_space<semaphore_mem>>) src(%dma_wait3A_198 : memref<32x128xf32, #tpu.memory_space<hbm>>) dst(%dma_wait3A_196 : memref<32x128xf32, #tpu.memory_space<vmem>>)
    %dma_start3A_199 = arith.constant 64 : i32
    %dma_start3A_200 = arith.constant 0 : i32
    %dma_start3A_201 = tpu.memref_slice %arg7[%dma_start3A_199, %dma_start3A_200] : memref<128x128xf32, #tpu.memory_space<vmem>> -> memref<32x128xf32, #tpu.memory_space<vmem>>
    %dma_start3A_202 = arith.constant 0 : i32
    %dma_start3A_203 = tpu.memref_slice %arg5[%add3A_8, %dma_start3A_202] : memref<4096x128xf32, #tpu.memory_space<hbm>> -> memref<32x128xf32, #tpu.memory_space<hbm>>
    %dma_start3A_204 = arith.constant 0 : i32
    %dma_start3A_205 = tpu.memref_slice %arg5[%add3A_8, %dma_start3A_204] : memref<4096x128xf32, #tpu.memory_space<hbm>> -> memref<32x128xf32, #tpu.memory_space<hbm>>
    %dma_start3A_206 = arith.constant 64 : i32
    %dma_start3A_207 = arith.constant 0 : i32
    %dma_start3A_208 = tpu.memref_slice %arg7[%dma_start3A_206, %dma_start3A_207] : memref<128x128xf32, #tpu.memory_space<vmem>> -> memref<32x128xf32, #tpu.memory_space<vmem>>
    tpu.enqueue_dma source(%dma_start3A_208 : memref<32x128xf32, #tpu.memory_space<vmem>>) target(%dma_start3A_205 : memref<32x128xf32, #tpu.memory_space<hbm>>) target_semaphore(%arg9 : memref<!tpu.dma_semaphore, #tpu.memory_space<semaphore_mem>>)
    %dma_wait3A_209 = arith.constant 96 : i32
    %dma_wait3A_210 = arith.constant 0 : i32
    %dma_wait3A_211 = tpu.memref_slice %arg6[%dma_wait3A_209, %dma_wait3A_210] : memref<128x128xf32, #tpu.memory_space<vmem>> -> memref<32x128xf32, #tpu.memory_space<vmem>>
    %dma_wait3A_212 = arith.constant 0 : i32
    %dma_wait3A_213 = tpu.memref_slice %arg2[%add3A_10, %dma_wait3A_212] : memref<4096x128xf32, #tpu.memory_space<hbm>> -> memref<32x128xf32, #tpu.memory_space<hbm>>
    %dma_wait3A_214 = arith.constant 96 : i32
    %dma_wait3A_215 = arith.constant 0 : i32
    %dma_wait3A_216 = tpu.memref_slice %arg6[%dma_wait3A_214, %dma_wait3A_215] : memref<128x128xf32, #tpu.memory_space<vmem>> -> memref<32x128xf32, #tpu.memory_space<vmem>>
    %dma_wait3A_217 = arith.constant 0 : i32
    %dma_wait3A_218 = tpu.memref_slice %arg2[%add3A_10, %dma_wait3A_217] : memref<4096x128xf32, #tpu.memory_space<hbm>> -> memref<32x128xf32, #tpu.memory_space<hbm>>
    tpu.wait_dma2 semaphore(%arg8 : memref<!tpu.dma_semaphore, #tpu.memory_space<semaphore_mem>>) src(%dma_wait3A_218 : memref<32x128xf32, #tpu.memory_space<hbm>>) dst(%dma_wait3A_216 : memref<32x128xf32, #tpu.memory_space<vmem>>)
    %dma_start3A_219 = arith.constant 96 : i32
    %dma_start3A_220 = arith.constant 0 : i32
    %dma_start3A_221 = tpu.memref_slice %arg6[%dma_start3A_219, %dma_start3A_220] : memref<128x128xf32, #tpu.memory_space<vmem>> -> memref<32x128xf32, #tpu.memory_space<vmem>>
    %dma_start3A_222 = arith.constant 0 : i32
    %dma_start3A_223 = tpu.memref_slice %arg4[%add3A_10, %dma_start3A_222] : memref<4096x128xf32, #tpu.memory_space<hbm>> -> memref<32x128xf32, #tpu.memory_space<hbm>>
    %dma_start3A_224 = arith.constant 0 : i32
    %dma_start3A_225 = tpu.memref_slice %arg4[%add3A_10, %dma_start3A_224] : memref<4096x128xf32, #tpu.memory_space<hbm>> -> memref<32x128xf32, #tpu.memory_space<hbm>>
    %dma_start3A_226 = arith.constant 96 : i32
    %dma_start3A_227 = arith.constant 0 : i32
    %dma_start3A_228 = tpu.memref_slice %arg6[%dma_start3A_226, %dma_start3A_227] : memref<128x128xf32, #tpu.memory_space<vmem>> -> memref<32x128xf32, #tpu.memory_space<vmem>>
    tpu.enqueue_dma source(%dma_start3A_228 : memref<32x128xf32, #tpu.memory_space<vmem>>) target(%dma_start3A_225 : memref<32x128xf32, #tpu.memory_space<hbm>>) target_semaphore(%arg9 : memref<!tpu.dma_semaphore, #tpu.memory_space<semaphore_mem>>)
    %dma_wait3A_229 = arith.constant 96 : i32
    %dma_wait3A_230 = arith.constant 0 : i32
    %dma_wait3A_231 = tpu.memref_slice %arg7[%dma_wait3A_229, %dma_wait3A_230] : memref<128x128xf32, #tpu.memory_space<vmem>> -> memref<32x128xf32, #tpu.memory_space<vmem>>
    %dma_wait3A_232 = arith.constant 0 : i32
    %dma_wait3A_233 = tpu.memref_slice %arg3[%add3A_10, %dma_wait3A_232] : memref<4096x128xf32, #tpu.memory_space<hbm>> -> memref<32x128xf32, #tpu.memory_space<hbm>>
    %dma_wait3A_234 = arith.constant 96 : i32
    %dma_wait3A_235 = arith.constant 0 : i32
    %dma_wait3A_236 = tpu.memref_slice %arg7[%dma_wait3A_234, %dma_wait3A_235] : memref<128x128xf32, #tpu.memory_space<vmem>> -> memref<32x128xf32, #tpu.memory_space<vmem>>
    %dma_wait3A_237 = arith.constant 0 : i32
    %dma_wait3A_238 = tpu.memref_slice %arg3[%add3A_10, %dma_wait3A_237] : memref<4096x128xf32, #tpu.memory_space<hbm>> -> memref<32x128xf32, #tpu.memory_space<hbm>>
    tpu.wait_dma2 semaphore(%arg8 : memref<!tpu.dma_semaphore, #tpu.memory_space<semaphore_mem>>) src(%dma_wait3A_238 : memref<32x128xf32, #tpu.memory_space<hbm>>) dst(%dma_wait3A_236 : memref<32x128xf32, #tpu.memory_space<vmem>>)
    %dma_start3A_239 = arith.constant 96 : i32
    %dma_start3A_240 = arith.constant 0 : i32
    %dma_start3A_241 = tpu.memref_slice %arg7[%dma_start3A_239, %dma_start3A_240] : memref<128x128xf32, #tpu.memory_space<vmem>> -> memref<32x128xf32, #tpu.memory_space<vmem>>
    %dma_start3A_242 = arith.constant 0 : i32
    %dma_start3A_243 = tpu.memref_slice %arg5[%add3A_10, %dma_start3A_242] : memref<4096x128xf32, #tpu.memory_space<hbm>> -> memref<32x128xf32, #tpu.memory_space<hbm>>
    %dma_start3A_244 = arith.constant 0 : i32
    %dma_start3A_245 = tpu.memref_slice %arg5[%add3A_10, %dma_start3A_244] : memref<4096x128xf32, #tpu.memory_space<hbm>> -> memref<32x128xf32, #tpu.memory_space<hbm>>
    %dma_start3A_246 = arith.constant 96 : i32
    %dma_start3A_247 = arith.constant 0 : i32
    %dma_start3A_248 = tpu.memref_slice %arg7[%dma_start3A_246, %dma_start3A_247] : memref<128x128xf32, #tpu.memory_space<vmem>> -> memref<32x128xf32, #tpu.memory_space<vmem>>
    tpu.enqueue_dma source(%dma_start3A_248 : memref<32x128xf32, #tpu.memory_space<vmem>>) target(%dma_start3A_245 : memref<32x128xf32, #tpu.memory_space<hbm>>) target_semaphore(%arg9 : memref<!tpu.dma_semaphore, #tpu.memory_space<semaphore_mem>>)
    %dma_wait3A_249 = arith.constant 0 : i32
    %dma_wait3A_250 = arith.constant 0 : i32
    %dma_wait3A_251 = tpu.memref_slice %arg6[%dma_wait3A_249, %dma_wait3A_250] : memref<128x128xf32, #tpu.memory_space<vmem>> -> memref<32x128xf32, #tpu.memory_space<vmem>>
    %dma_wait3A_252 = arith.constant 0 : i32
    %dma_wait3A_253 = tpu.memref_slice %arg4[%add3A_4, %dma_wait3A_252] : memref<4096x128xf32, #tpu.memory_space<hbm>> -> memref<32x128xf32, #tpu.memory_space<hbm>>
    %dma_wait3A_254 = arith.constant 0 : i32
    %dma_wait3A_255 = tpu.memref_slice %arg4[%add3A_4, %dma_wait3A_254] : memref<4096x128xf32, #tpu.memory_space<hbm>> -> memref<32x128xf32, #tpu.memory_space<hbm>>
    %dma_wait3A_256 = arith.constant 0 : i32
    %dma_wait3A_257 = arith.constant 0 : i32
    %dma_wait3A_258 = tpu.memref_slice %arg6[%dma_wait3A_256, %dma_wait3A_257] : memref<128x128xf32, #tpu.memory_space<vmem>> -> memref<32x128xf32, #tpu.memory_space<vmem>>
    tpu.wait_dma2 semaphore(%arg9 : memref<!tpu.dma_semaphore, #tpu.memory_space<semaphore_mem>>) src(%dma_wait3A_258 : memref<32x128xf32, #tpu.memory_space<vmem>>) dst(%dma_wait3A_255 : memref<32x128xf32, #tpu.memory_space<hbm>>)
    %dma_wait3A_259 = arith.constant 0 : i32
    %dma_wait3A_260 = arith.constant 0 : i32
    %dma_wait3A_261 = tpu.memref_slice %arg7[%dma_wait3A_259, %dma_wait3A_260] : memref<128x128xf32, #tpu.memory_space<vmem>> -> memref<32x128xf32, #tpu.memory_space<vmem>>
    %dma_wait3A_262 = arith.constant 0 : i32
    %dma_wait3A_263 = tpu.memref_slice %arg5[%add3A_4, %dma_wait3A_262] : memref<4096x128xf32, #tpu.memory_space<hbm>> -> memref<32x128xf32, #tpu.memory_space<hbm>>
    %dma_wait3A_264 = arith.constant 0 : i32
    %dma_wait3A_265 = tpu.memref_slice %arg5[%add3A_4, %dma_wait3A_264] : memref<4096x128xf32, #tpu.memory_space<hbm>> -> memref<32x128xf32, #tpu.memory_space<hbm>>
    %dma_wait3A_266 = arith.constant 0 : i32
    %dma_wait3A_267 = arith.constant 0 : i32
    %dma_wait3A_268 = tpu.memref_slice %arg7[%dma_wait3A_266, %dma_wait3A_267] : memref<128x128xf32, #tpu.memory_space<vmem>> -> memref<32x128xf32, #tpu.memory_space<vmem>>
    tpu.wait_dma2 semaphore(%arg9 : memref<!tpu.dma_semaphore, #tpu.memory_space<semaphore_mem>>) src(%dma_wait3A_268 : memref<32x128xf32, #tpu.memory_space<vmem>>) dst(%dma_wait3A_265 : memref<32x128xf32, #tpu.memory_space<hbm>>)
    %dma_wait3A_269 = arith.constant 32 : i32
    %dma_wait3A_270 = arith.constant 0 : i32
    %dma_wait3A_271 = tpu.memref_slice %arg6[%dma_wait3A_269, %dma_wait3A_270] : memref<128x128xf32, #tpu.memory_space<vmem>> -> memref<32x128xf32, #tpu.memory_space<vmem>>
    %dma_wait3A_272 = arith.constant 0 : i32
    %dma_wait3A_273 = tpu.memref_slice %arg4[%add3A_6, %dma_wait3A_272] : memref<4096x128xf32, #tpu.memory_space<hbm>> -> memref<32x128xf32, #tpu.memory_space<hbm>>
    %dma_wait3A_274 = arith.constant 0 : i32
    %dma_wait3A_275 = tpu.memref_slice %arg4[%add3A_6, %dma_wait3A_274] : memref<4096x128xf32, #tpu.memory_space<hbm>> -> memref<32x128xf32, #tpu.memory_space<hbm>>
    %dma_wait3A_276 = arith.constant 32 : i32
    %dma_wait3A_277 = arith.constant 0 : i32
    %dma_wait3A_278 = tpu.memref_slice %arg6[%dma_wait3A_276, %dma_wait3A_277] : memref<128x128xf32, #tpu.memory_space<vmem>> -> memref<32x128xf32, #tpu.memory_space<vmem>>
    tpu.wait_dma2 semaphore(%arg9 : memref<!tpu.dma_semaphore, #tpu.memory_space<semaphore_mem>>) src(%dma_wait3A_278 : memref<32x128xf32, #tpu.memory_space<vmem>>) dst(%dma_wait3A_275 : memref<32x128xf32, #tpu.memory_space<hbm>>)
    %dma_wait3A_279 = arith.constant 32 : i32
    %dma_wait3A_280 = arith.constant 0 : i32
    %dma_wait3A_281 = tpu.memref_slice %arg7[%dma_wait3A_279, %dma_wait3A_280] : memref<128x128xf32, #tpu.memory_space<vmem>> -> memref<32x128xf32, #tpu.memory_space<vmem>>
    %dma_wait3A_282 = arith.constant 0 : i32
    %dma_wait3A_283 = tpu.memref_slice %arg5[%add3A_6, %dma_wait3A_282] : memref<4096x128xf32, #tpu.memory_space<hbm>> -> memref<32x128xf32, #tpu.memory_space<hbm>>
    %dma_wait3A_284 = arith.constant 0 : i32
    %dma_wait3A_285 = tpu.memref_slice %arg5[%add3A_6, %dma_wait3A_284] : memref<4096x128xf32, #tpu.memory_space<hbm>> -> memref<32x128xf32, #tpu.memory_space<hbm>>
    %dma_wait3A_286 = arith.constant 32 : i32
    %dma_wait3A_287 = arith.constant 0 : i32
    %dma_wait3A_288 = tpu.memref_slice %arg7[%dma_wait3A_286, %dma_wait3A_287] : memref<128x128xf32, #tpu.memory_space<vmem>> -> memref<32x128xf32, #tpu.memory_space<vmem>>
    tpu.wait_dma2 semaphore(%arg9 : memref<!tpu.dma_semaphore, #tpu.memory_space<semaphore_mem>>) src(%dma_wait3A_288 : memref<32x128xf32, #tpu.memory_space<vmem>>) dst(%dma_wait3A_285 : memref<32x128xf32, #tpu.memory_space<hbm>>)
    %dma_wait3A_289 = arith.constant 64 : i32
    %dma_wait3A_290 = arith.constant 0 : i32
    %dma_wait3A_291 = tpu.memref_slice %arg6[%dma_wait3A_289, %dma_wait3A_290] : memref<128x128xf32, #tpu.memory_space<vmem>> -> memref<32x128xf32, #tpu.memory_space<vmem>>
    %dma_wait3A_292 = arith.constant 0 : i32
    %dma_wait3A_293 = tpu.memref_slice %arg4[%add3A_8, %dma_wait3A_292] : memref<4096x128xf32, #tpu.memory_space<hbm>> -> memref<32x128xf32, #tpu.memory_space<hbm>>
    %dma_wait3A_294 = arith.constant 0 : i32
    %dma_wait3A_295 = tpu.memref_slice %arg4[%add3A_8, %dma_wait3A_294] : memref<4096x128xf32, #tpu.memory_space<hbm>> -> memref<32x128xf32, #tpu.memory_space<hbm>>
    %dma_wait3A_296 = arith.constant 64 : i32
    %dma_wait3A_297 = arith.constant 0 : i32
    %dma_wait3A_298 = tpu.memref_slice %arg6[%dma_wait3A_296, %dma_wait3A_297] : memref<128x128xf32, #tpu.memory_space<vmem>> -> memref<32x128xf32, #tpu.memory_space<vmem>>
    tpu.wait_dma2 semaphore(%arg9 : memref<!tpu.dma_semaphore, #tpu.memory_space<semaphore_mem>>) src(%dma_wait3A_298 : memref<32x128xf32, #tpu.memory_space<vmem>>) dst(%dma_wait3A_295 : memref<32x128xf32, #tpu.memory_space<hbm>>)
    %dma_wait3A_299 = arith.constant 64 : i32
    %dma_wait3A_300 = arith.constant 0 : i32
    %dma_wait3A_301 = tpu.memref_slice %arg7[%dma_wait3A_299, %dma_wait3A_300] : memref<128x128xf32, #tpu.memory_space<vmem>> -> memref<32x128xf32, #tpu.memory_space<vmem>>
    %dma_wait3A_302 = arith.constant 0 : i32
    %dma_wait3A_303 = tpu.memref_slice %arg5[%add3A_8, %dma_wait3A_302] : memref<4096x128xf32, #tpu.memory_space<hbm>> -> memref<32x128xf32, #tpu.memory_space<hbm>>
    %dma_wait3A_304 = arith.constant 0 : i32
    %dma_wait3A_305 = tpu.memref_slice %arg5[%add3A_8, %dma_wait3A_304] : memref<4096x128xf32, #tpu.memory_space<hbm>> -> memref<32x128xf32, #tpu.memory_space<hbm>>
    %dma_wait3A_306 = arith.constant 64 : i32
    %dma_wait3A_307 = arith.constant 0 : i32
    %dma_wait3A_308 = tpu.memref_slice %arg7[%dma_wait3A_306, %dma_wait3A_307] : memref<128x128xf32, #tpu.memory_space<vmem>> -> memref<32x128xf32, #tpu.memory_space<vmem>>
    tpu.wait_dma2 semaphore(%arg9 : memref<!tpu.dma_semaphore, #tpu.memory_space<semaphore_mem>>) src(%dma_wait3A_308 : memref<32x128xf32, #tpu.memory_space<vmem>>) dst(%dma_wait3A_305 : memref<32x128xf32, #tpu.memory_space<hbm>>)
    %dma_wait3A_309 = arith.constant 96 : i32
    %dma_wait3A_310 = arith.constant 0 : i32
    %dma_wait3A_311 = tpu.memref_slice %arg6[%dma_wait3A_309, %dma_wait3A_310] : memref<128x128xf32, #tpu.memory_space<vmem>> -> memref<32x128xf32, #tpu.memory_space<vmem>>
    %dma_wait3A_312 = arith.constant 0 : i32
    %dma_wait3A_313 = tpu.memref_slice %arg4[%add3A_10, %dma_wait3A_312] : memref<4096x128xf32, #tpu.memory_space<hbm>> -> memref<32x128xf32, #tpu.memory_space<hbm>>
    %dma_wait3A_314 = arith.constant 0 : i32
    %dma_wait3A_315 = tpu.memref_slice %arg4[%add3A_10, %dma_wait3A_314] : memref<4096x128xf32, #tpu.memory_space<hbm>> -> memref<32x128xf32, #tpu.memory_space<hbm>>
    %dma_wait3A_316 = arith.constant 96 : i32
    %dma_wait3A_317 = arith.constant 0 : i32
    %dma_wait3A_318 = tpu.memref_slice %arg6[%dma_wait3A_316, %dma_wait3A_317] : memref<128x128xf32, #tpu.memory_space<vmem>> -> memref<32x128xf32, #tpu.memory_space<vmem>>
    tpu.wait_dma2 semaphore(%arg9 : memref<!tpu.dma_semaphore, #tpu.memory_space<semaphore_mem>>) src(%dma_wait3A_318 : memref<32x128xf32, #tpu.memory_space<vmem>>) dst(%dma_wait3A_315 : memref<32x128xf32, #tpu.memory_space<hbm>>)
    %dma_wait3A_319 = arith.constant 96 : i32
    %dma_wait3A_320 = arith.constant 0 : i32
    %dma_wait3A_321 = tpu.memref_slice %arg7[%dma_wait3A_319, %dma_wait3A_320] : memref<128x128xf32, #tpu.memory_space<vmem>> -> memref<32x128xf32, #tpu.memory_space<vmem>>
    %dma_wait3A_322 = arith.constant 0 : i32
    %dma_wait3A_323 = tpu.memref_slice %arg5[%add3A_10, %dma_wait3A_322] : memref<4096x128xf32, #tpu.memory_space<hbm>> -> memref<32x128xf32, #tpu.memory_space<hbm>>
    %dma_wait3A_324 = arith.constant 0 : i32
    %dma_wait3A_325 = tpu.memref_slice %arg5[%add3A_10, %dma_wait3A_324] : memref<4096x128xf32, #tpu.memory_space<hbm>> -> memref<32x128xf32, #tpu.memory_space<hbm>>
    %dma_wait3A_326 = arith.constant 96 : i32
    %dma_wait3A_327 = arith.constant 0 : i32
    %dma_wait3A_328 = tpu.memref_slice %arg7[%dma_wait3A_326, %dma_wait3A_327] : memref<128x128xf32, #tpu.memory_space<vmem>> -> memref<32x128xf32, #tpu.memory_space<vmem>>
    tpu.wait_dma2 semaphore(%arg9 : memref<!tpu.dma_semaphore, #tpu.memory_space<semaphore_mem>>) src(%dma_wait3A_328 : memref<32x128xf32, #tpu.memory_space<vmem>>) dst(%dma_wait3A_325 : memref<32x128xf32, #tpu.memory_space<hbm>>)
    return
  }
}

</mosaic_0001>

<sc_bundles>
// kernel: kernel.3.cloned.1.call-start
scs
__scs_entry_jumppad:
0x0: {  	(pc) =	sbr.rel $0x88, $3  }
0x1: {  	(tag) =	ssettag $0x0;
	lr =	simm.s32 $0x1  }
0x2: {  	[smem:$0x3F9F] =	sst lr;
	_ =	strace $0xD0000000  }
0x3: {  	_ = 	snop  }
0x4: {  	_ = 	snop  }
0x5: {  	_ = 	snop  }
0x6: {  	_ = 	snop  }
0x7: {  	_ = 	snop  }
__scs_overlays_trampoline_lowered:
0x8: {  	[smem:$0x3FAE] =	sst s0  }
0x9: {  	[smem:$0x3FAF] =	sst s1  }
0xa: {  	[smem:$0x3FB0] =	sst s2  }
0xb: {  	[smem:$0x3FB1] =	sst s3  }
0xc: {  	[smem:$0x3FB2] =	sst s4  }
0xd: {  	[smem:$0x3FB3] =	sst s5  }
0xe: {  	[smem:$0x3FB4] =	sst s6  }
0xf: {  	[smem:$0x3FB5] =	sst s7  }
0x10: {  	[smem:$0x3FB6] =	sst s8  }
0x11: {  	[smem:$0x3FB7] =	sst s9;
	s0 =	simm.s32 @!p0 $0x0  }
0x12: {  	s1 =	sld [smem:$0x3F9D];
	s0 =	simm.s32 @p0 $0x1  }
0x13: {  	[smem:$0x3FB8] =	sst s0;
	s0 =	simm.s32 @!p1 $0x0  }
0x14: {  	s2 =	sld [smem:$0x3F9C];
	s0 =	simm.s32 @p1 $0x1  }
0x15: {  	[smem:$0x3FB9] =	sst s0;
	s0 =	simm.s32 @!p2 $0x0  }
0x16: {  	s3 =	sld [smem:$0x3FDB];
	s0 =	simm.s32 @p2 $0x1  }
0x17: {  	s4 =	simm.s32 $0x1BF5;
	[smem:$0x3FBB] =	sst s0  }
0x18: {  	s0 =	sld [smem:$0x3F9E];
	_ =	swait.ge [sflag:s4], $0x0  }
0x19: {  	s7 =	sld [smem:$0x3F9F]  }
0x1a: {  	s8 =	sadd.s32 $0xFFFFE003, lr  }
0x1b: {  	s9 =	sadd.s32 $0xFFFFFEF7, lr;
	s5 =	simm.s32 $0xFFFFFFFF;
	p2 =	slt.u32 s8, $0xFFFFF086  }
0x1c: {  	p1 =	slt.u32 s9, $0xF7A;
	s5 =	simm.s32 @!p2 $0x0  }
0x1d: {  	s5 =	simm.s32 @p1 $0x1;
	p0 =	seq.s32 s7, s2  }
0x1e: {  	s7 =	smul.u32 @!p0 $0xF7A, s2;
	p2 =	seq.s32 @!p0 s5, $0x0  }
0x1f: {  	s9 =	smul.u32 $0xF7A, s1;
	s8 =	simm.s32 @!p0 $0x1BF5;
	p2 =	por !p2, p0  }
0x20: {  	[sflag:s8] =	ssyncset.s32 @!p0 $0xFFFFF086;
	s6 =	sadd.s32 @!p0 s3, s7;
	s7 =	simm.s32 @!p0 $0x108  }
0x21: {  	s3 =	sadd.s32 s3, s9;
	s6 =	sadd.s32 @!p0 $0x88, s6;
	s7 =	simm.s32 @p2 $0x1082  }
0x22: {  	[simem:s7], [sflag:s8] =	dma.local @!p0 [hbm:s6], $0xF7A  }
0x23: {  	s9 =	sor.u32 $0xD0000000, s2;
	s6 =	simm.s32 $0x108;
	_ =	swait.ge @!p0 [sflag:s8], $0x0  }
0x24: {  	s3 =	sadd.s32 $0x88, s3;
	s6 =	simm.s32 @!p1 $0x1082;
	[sflag:s4] =	ssyncset.s32 $0xFFFFF086  }
0x25: {  	[simem:s6], [sflag:s4] =	dma.local [hbm:s3], $0xF7A  }
0x26: {  	[smem:$0x3F9F] =	sst s1;
	(tag) =	ssettag s2;
	_ =	strace s9  }
0x27: {  	s1 =	sld [smem:$0x3FAF]  }
0x28: {  	s2 =	sld [smem:$0x3FB0]  }
0x29: {  	s4 =	sld [smem:$0x3FB2]  }
0x2a: {  	p0 =	seq.s32 s5, $0x0;
	s5 =	sld [smem:$0x3FB3]  }
0x2b: {  	s6 =	sld [smem:$0x3FB4]  }
0x2c: {  	s7 =	sld [smem:$0x3FB5]  }
0x2d: {  	s3 =	simm.s32 $0x108;
	s8 =	sld [smem:$0x3FB6]  }
0x2e: {  	s3 =	simm.s32 @!p0 $0x1082;
	s9 =	sld [smem:$0x3FB7]  }
0x2f: {  	lr =	sadd.s32 s0, s3;
	s0 =	sld [smem:$0x3FAE]  }
0x30: {  	s3 =	sld [smem:$0x3FB1]  }
0x31: {  	[smem:$0x3FBA] =	sst s10  }
0x32: {  	s10 =	sld [smem:$0x3FB8];
	_ =	sdelay $0x3  }
0x33: {  	p0 =	seq.s32 s10, $0x1;
	s10 =	sld [smem:$0x3FBA];
	_ =	sdelay $0x3  }
0x34: {  	[smem:$0x3FBA] =	sst s10  }
0x35: {  	s10 =	sld [smem:$0x3FB9];
	_ =	sdelay $0x3  }
0x36: {  	p1 =	seq.s32 s10, $0x1;
	s10 =	sld [smem:$0x3FBA];
	_ =	sdelay $0x3  }
0x37: {  	[smem:$0x3FBA] =	sst s10  }
0x38: {  	s10 =	sld [smem:$0x3FBB]  }
0x39: {  	_ = 	snop;
	(pc) =	sbr.ind lr, $3  }
0x3a: {  	_ = 	snop  }
0x3b: {  	_ = 	snop  }
0x3c: {  	p2 =	seq.s32 s10, $0x1;
	s10 =	sld [smem:$0x3FBA]  }
0x3d: {  	_ =	shalt  }
0x3e: {  	_ =	shalt  }
0x3f: {  	_ =	shalt  }
0x40: {  	_ =	shalt  }
0x41: {  	_ =	shalt  }
0x42: {  	_ =	shalt  }
0x43: {  	_ =	shalt  }
0x44: {  	_ =	shalt  }
0x45: {  	_ =	shalt  }
0x46: {  	_ =	shalt  }
0x47: {  	_ =	shalt  }
0x48: {  	_ =	shalt  }
0x49: {  	_ =	shalt  }
0x4a: {  	_ =	shalt  }
0x4b: {  	_ =	shalt  }
0x4c: {  	_ =	shalt  }
0x4d: {  	_ =	shalt  }
0x4e: {  	_ =	shalt  }
0x4f: {  	_ =	shalt  }
0x50: {  	_ =	shalt  }
0x51: {  	_ =	shalt  }
0x52: {  	_ =	shalt  }
0x53: {  	_ =	shalt  }
0x54: {  	_ =	shalt  }
0x55: {  	_ =	shalt  }
0x56: {  	_ =	shalt  }
0x57: {  	_ =	shalt  }
0x58: {  	_ =	shalt  }
0x59: {  	_ =	shalt  }
0x5a: {  	_ =	shalt  }
0x5b: {  	_ =	shalt  }
0x5c: {  	_ =	shalt  }
0x5d: {  	_ =	shalt  }
0x5e: {  	_ =	shalt  }
0x5f: {  	_ =	shalt  }
0x60: {  	_ =	shalt  }
0x61: {  	_ =	shalt  }
0x62: {  	_ =	shalt  }
0x63: {  	_ =	shalt  }
0x64: {  	_ =	shalt  }
0x65: {  	_ =	shalt  }
0x66: {  	_ =	shalt  }
0x67: {  	_ =	shalt  }
0x68: {  	_ =	shalt  }
0x69: {  	_ =	shalt  }
0x6a: {  	_ =	shalt  }
0x6b: {  	_ =	shalt  }
0x6c: {  	_ =	shalt  }
0x6d: {  	_ =	shalt  }
0x6e: {  	_ =	shalt  }
0x6f: {  	_ =	shalt  }
0x70: {  	_ =	shalt  }
0x71: {  	_ =	shalt  }
0x72: {  	_ =	shalt  }
0x73: {  	_ =	shalt  }
0x74: {  	_ =	shalt  }
0x75: {  	_ =	shalt  }
0x76: {  	_ =	shalt  }
0x77: {  	_ =	shalt  }
0x78: {  	_ =	shalt  }
0x79: {  	_ =	shalt  }
0x7a: {  	_ =	shalt  }
0x7b: {  	_ =	shalt  }
0x7c: {  	_ =	shalt  }
0x7d: {  	_ =	shalt  }
0x7e: {  	_ =	shalt  }
0x7f: {  	_ =	shalt  }
0x80: {  	_ =	shalt  }
0x81: {  	_ =	shalt  }
0x82: {  	_ =	shalt  }
0x83: {  	_ =	shalt  }
0x84: {  	_ =	shalt  }
0x85: {  	_ =	shalt  }
0x86: {  	_ =	shalt  }
0x87: {  	_ =	shalt  }
.Lfunc_end0:
.L_simem_size_0:
called_computation_lowered:
.L_overlay_start_0:
0x88: {  	s2 =	sld [smem:$0x3FD9]  }
0x89: {  	s3 =	sld [smem:$0x3FFE];
	_ =	sdelay $0x1  }
0x8a: {  	s1 =	srdreg.scid  }
0x8b: {  	s0 =	sand.u32 $0x1, s1  }
0x8c: {  	s15 =	sshll.u32 s0, $0xA;
	s2 =	sadd.s32 s3, s2  }
0x8d: {  	s2 =	sadd.s32 s2, s15  }
0x8e: {  	[smem:$0x3FC6] =	sst s2  }
0x8f: {  	_ = 	snop  }
0x90: {  	s2 =	sld [smem:$0x3FD0];
	_ =	sdelay $0x1  }
0x91: {  	s16 =	sld [smem:$0x3FC9]  }
0x92: {  	s5 =	simm.s32 $0xA;
	s6 =	simm.s32 $0x10;
	s4 =	sld [smem:$0x3FC8]  }
0x93: {  	[smem:s6], [sflag:s5] =	dma.local [hbm:s2], $0x1  }
0x94: {  	_ =	swait.eq [sflag:s5], $0x1  }
0x95: {  	[sflag:s5] =	ssyncset.done $0x0  }
0x96: {  	s17 =	sld [smem:$0x10];
	[sflag:s5] =	ssyncadd.s32 $0xFFFFFFFF  }
0x97: {  	s18 =	sld [smem:$0x11];
	(tm) =	ssettm $0x1  }
0x98: {  	s19 =	sld [smem:$0x3FFB];
	_ =	sdelay $0x3  }
0x99: {  	_ =	strace s19  }
0x9a: {  	s6 =	sld [smem:$0x3FFC];
	_ =	sdelay $0x3  }
0x9b: {  	_ =	strace s6  }
0x9c: {  	s6 =	sld [smem:$0x3FFD];
	_ =	sdelay $0x3  }
0x9d: {  	_ =	strace s6  }
0x9e: {  	_ =	strace $0x8FFFFFFF  }
0x9f: {  	s20 =	sld [smem:$0x3FDB];
	_ =	sdelay $0x1  }
0xa0: {  	s7 =	simm.s32 $_scs_section_size  }
0xa1: {  	s8 =	simm.s32 $_size__tile_overlayer_lowered;
	s9 =	simm.s32 $_tile_overlayer_lowered  }
0xa2: {  	s23 =	simm.s32 $0x1BFF;
	s22 =	sshll.u32 s9, $0x1;
	s6 =	sadd.s32 s7, s20  }
0xa3: {  	s10 =	simm.s32 $0x0;
	s21 =	sshll.u32 s8, $0x1;
	s8 =	sadd.s32 s22, s6  }
0xa4: {  	[timem:s10], [sflag:s23] =	dma.local [hbm:s8], s21  }
0xa5: {  	_ =	swait.ge [sflag:s23], s21  }
0xa6: {  	s7 =	ssub.s32 $0x0, s21;
	[sflag:s23] =	ssyncset.done $0x0  }
0xa7: {  	[sflag:s23] =	ssyncadd.s32 s7;
	_ =	sdelay $0x1  }
0xa8: {  	s24 =	simm.s32 $0x1B8B  }
0xa9: {  	_ =	swait.ge [sflag:s24], $0x1  }
0xaa: {  	[sflag:s24] =	ssyncset.done $0x0  }
0xab: {  	s25 =	simm.s32 $0x1B8E;
	[sflag:s24] =	ssyncadd.s32 $0xFFFFFFFF  }
0xac: {  	s26 =	simm.s32 $execute0_lowered;
	[smem:$0x3FD2] =	sst s25  }
0xad: {  	s7 =	sshll.u32 s26, $0x1;
	_ =	strace $0x80000046;
	[dreg:$0x1] =	wrdreg $0xFFFFFFFF  }
0xae: {  	s28 =	simm.s32 $_size_execute0_lowered;
	s6 =	sadd.s32 s6, s7;
	[dreg:$0x0] =	wrdreg $0x0  }
0xaf: {  	s7 =	sshll.u32 s28, $0x1;
	[dreg:$0x2] =	wrdreg s6  }
0xb0: {  	[dreg:$0x3] =	wrdreg s7  }
0xb1: {  	[dreg:$0x4] =	wrdreg $0xC0  }
0xb2: {  	_ =	task [dreg:s10], $0x5FFFF  }
0xb3: {  	[dreg:$0x1] =	wrdreg $0xFFFFFFFF  }
0xb4: {  	[dreg:$0x0] =	wrdreg $0x60  }
0xb5: {  	[dreg:$0x2] =	wrdreg s16  }
0xb6: {  	[dreg:$0x3] =	wrdreg s4  }
0xb7: {  	[dreg:$0x4] =	wrdreg s17  }
0xb8: {  	[dreg:$0x5] =	wrdreg s18  }
0xb9: {  	[dreg:$0x6] =	wrdreg $0x9  }
0xba: {  	_ =	task.clear_ibuf [dreg:s10], $0x7FFFF;
	_ =	strace $0x90000046  }
0xbb: {  	s29 =	simm.s32 $0x9;
	_ =	strace $0x80000048  }
0xbc: {  	_ =	swait.ge [sflag:s29], $0x1  }
0xbd: {  	[sflag:s29] =	ssyncadd.s32 $0xFFFFFFFF  }
0xbe: {  	_ =	strace $0x90000048  }
0xbf: {  	_ =	sfence  }
0xc0: {  	s30 =	sld [smem:$0x0];
	_ =	sdelay $0x2  }
0xc1: {  	s31 =	sshll.u32 s1, $0xD;
	s1 =	sshrl.u32 s1, $0x2  }
0xc2: {  	s3 =	sand.u32 $0x4000, s31;
	s1 =	sadd.s32 s1, s30  }
0xc3: {  	s0 =	sor.u32 s3, s0;
	s1 =	sshll.u32 s1, $0x11  }
0xc4: {  	s0 =	sor.u32 s1, s0  }
0xc5: {  	s0 =	sadd.s32 $0x8F2B, s0  }
0xc6: {  	[sflag:s0] =	ssyncadd.remote.s32 $0x1  }
0xc7: {  	_ =	sfence.sel $0xFFFF  }
0xc8: {  	[dreg:$0x0] =	wrdreg $0xFFFFFFFF;
	(pc) =	sbr.abs _section_cstart, $3  }
0xc9: {  	[dreg:$0x1] =	wrdreg $0xFFFFFFFF  }
0xca: {  	_ =	task.clear_ibuf [dreg:s10], $0x2FFFF;
	_ =	strace $0x9FFFFFFF  }
0xcb: {  	(tm) =	ssettm $0x7FFFFFFF  }
tec
execute0_lowered:
.L_overlay_start_1:
0x0: {  	(tag) =	ssettag $0x1  }
0x1: {  	s14 =	rddreg [dreg:$0x0]  }
0x2: {  	s16 =	rddreg [dreg:$0x1]  }
0x3: {  	s25 =	rddreg [dreg:$0x2];
	s2 =	srdreg.scid  }
0x4: {  	s26 =	rddreg [dreg:$0x3];
	s1 =	stileid.u32;
	s29 =	sand.u32 $0x1, s2  }
0x5: {  	s2 =	simm.s32 $0x0;
	s3 =	sshll.u32 s1, $0xC;
	s4 =	sshll.u32 s29, $0xB  }
0x6: {  	[smem:$0x7FF] =	sst s2;
	s20 =	sor.u32 s4, s3  }
0x7: {  	s0 =	rddreg [dreg:$0x4];
	_ =	strace $0x80000047;
	s3 =	sadd.s32 s14, s20  }
0x8: {  	[tilespmem:s2], [sflag:$0x1] =	stream.linear.gather [hbm4b:s3+s2], $0x1000, $0x38;
	[tilespmem:$0x8000] =	vst v63  }
0x9: {  	s5 =	simm.s32 $0x4000;
	s4 =	sadd.s32 s16, s20;
	s22 =	sor.u32 $0x200, s20  }
0xa: {  	[tilespmem:s5], [sflag:$0x1] =	stream.linear.gather [hbm4b:s4+s2], $0x1000, $0x38;
	[tilespmem:$0x8000] =	vst v63  }
0xb: {  	s7 =	simm.s32 $0x1000;
	s6 =	sadd.s32 s14, s22  }
0xc: {  	[tilespmem:s7], [sflag:$0x1] =	stream.linear.gather [hbm4b:s6+s2], $0x1000, $0x38;
	[tilespmem:$0x8000] =	vst v63  }
0xd: {  	s9 =	simm.s32 $0x5000;
	s24 =	sor.u32 $0x400, s20;
	s8 =	sadd.s32 s16, s22  }
0xe: {  	[tilespmem:s9], [sflag:$0x1] =	stream.linear.gather [hbm4b:s8+s2], $0x1000, $0x38;
	[tilespmem:$0x8000] =	vst v63  }
0xf: {  	s11 =	simm.s32 $0x2000;
	s10 =	sadd.s32 s14, s24  }
0x10: {  	[tilespmem:s11], [sflag:$0x1] =	stream.linear.gather [hbm4b:s10+s2], $0x1000, $0x38;
	[tilespmem:$0x8000] =	vst v63  }
0x11: {  	s13 =	simm.s32 $0x6000;
	s28 =	sor.u32 $0x600, s20;
	s12 =	sadd.s32 s16, s24  }
0x12: {  	[tilespmem:s13], [sflag:$0x1] =	stream.linear.gather [hbm4b:s12+s2], $0x1000, $0x38;
	[tilespmem:$0x8000] =	vst v63  }
0x13: {  	s15 =	simm.s32 $0x3000;
	s14 =	sadd.s32 s14, s28  }
0x14: {  	[tilespmem:s15], [sflag:$0x1] =	stream.linear.gather [hbm4b:s14+s2], $0x1000, $0x38;
	[tilespmem:$0x8000] =	vst v63  }
0x15: {  	s17 =	simm.s32 $0x7000;
	s18 =	simm.s32 $0x1;
	s16 =	sadd.s32 s16, s28  }
0x16: {  	[tilespmem:s17], [sflag:$0x1] =	stream.linear.gather [hbm4b:s16+s2], $0x1000, $0x38;
	[tilespmem:$0x8000] =	vst v63  }
0x17: {  	_ =	swait.ge [sflag:s18], $0x1000  }
0x18: {  	[sflag:s18] =	ssyncset.done $0x0  }
0x19: {  	s19 =	sadd.s32 s25, s20;
	[sflag:s18] =	ssyncadd.s32 $0xFFFFF000  }
0x1a: {  	[hbm4b:s19+s2] =	stream.linear.scatter [tilespmem:s2], [sflag:$0x2], $0x1000, $0x38;
	[tilespmem:$0x8000] =	vst v63  }
0x1b: {  	_ =	swait.ge [sflag:s18], $0x1000  }
0x1c: {  	[sflag:s18] =	ssyncset.done $0x0  }
0x1d: {  	s20 =	sadd.s32 s26, s20;
	[sflag:s18] =	ssyncadd.s32 $0xFFFFF000  }
0x1e: {  	[hbm4b:s20+s2] =	stream.linear.scatter [tilespmem:s5], [sflag:$0x2], $0x1000, $0x38;
	[tilespmem:$0x8000] =	vst v63  }
0x1f: {  	_ =	swait.ge [sflag:s18], $0x1000  }
0x20: {  	[sflag:s18] =	ssyncset.done $0x0  }
0x21: {  	s21 =	sadd.s32 s25, s22;
	[sflag:s18] =	ssyncadd.s32 $0xFFFFF000  }
0x22: {  	[hbm4b:s21+s2] =	stream.linear.scatter [tilespmem:s7], [sflag:$0x2], $0x1000, $0x38;
	[tilespmem:$0x8000] =	vst v63  }
0x23: {  	_ =	swait.ge [sflag:s18], $0x1000  }
0x24: {  	[sflag:s18] =	ssyncset.done $0x0  }
0x25: {  	s22 =	sadd.s32 s26, s22;
	[sflag:s18] =	ssyncadd.s32 $0xFFFFF000  }
0x26: {  	[hbm4b:s22+s2] =	stream.linear.scatter [tilespmem:s9], [sflag:$0x2], $0x1000, $0x38;
	[tilespmem:$0x8000] =	vst v63  }
0x27: {  	_ =	swait.ge [sflag:s18], $0x1000  }
0x28: {  	[sflag:s18] =	ssyncset.done $0x0  }
0x29: {  	s23 =	sadd.s32 s25, s24;
	[sflag:s18] =	ssyncadd.s32 $0xFFFFF000  }
0x2a: {  	[hbm4b:s23+s2] =	stream.linear.scatter [tilespmem:s11], [sflag:$0x2], $0x1000, $0x38;
	[tilespmem:$0x8000] =	vst v63  }
0x2b: {  	_ =	swait.ge [sflag:s18], $0x1000  }
0x2c: {  	[sflag:s18] =	ssyncset.done $0x0  }
0x2d: {  	s24 =	sadd.s32 s26, s24;
	[sflag:s18] =	ssyncadd.s32 $0xFFFFF000  }
0x2e: {  	[hbm4b:s24+s2] =	stream.linear.scatter [tilespmem:s13], [sflag:$0x2], $0x1000, $0x38;
	[tilespmem:$0x8000] =	vst v63  }
0x2f: {  	_ =	swait.ge [sflag:s18], $0x1000  }
0x30: {  	[sflag:s18] =	ssyncset.done $0x0  }
0x31: {  	s25 =	sadd.s32 s25, s28;
	[sflag:s18] =	ssyncadd.s32 $0xFFFFF000  }
0x32: {  	[hbm4b:s25+s2] =	stream.linear.scatter [tilespmem:s15], [sflag:$0x2], $0x1000, $0x38;
	[tilespmem:$0x8000] =	vst v63  }
0x33: {  	_ =	swait.ge [sflag:s18], $0x1000  }
0x34: {  	[sflag:s18] =	ssyncset.done $0x0  }
0x35: {  	s26 =	sadd.s32 s26, s28;
	s28 =	simm.s32 $0x2;
	[sflag:s18] =	ssyncadd.s32 $0xFFFFF000  }
0x36: {  	[hbm4b:s26+s2] =	stream.linear.scatter [tilespmem:s17], [sflag:$0x2], $0x1000, $0x38;
	[tilespmem:$0x8000] =	vst v63  }
0x37: {  	_ =	swait.ge [sflag:s28], $0x1000  }
0x38: {  	[sflag:s28] =	ssyncset.done $0x0  }
0x39: {  	[sflag:s28] =	ssyncadd.s32 $0xFFFFF000  }
0x3a: {  	_ =	swait.ge [sflag:s28], $0x1000  }
0x3b: {  	[sflag:s28] =	ssyncset.done $0x0  }
0x3c: {  	[sflag:s28] =	ssyncadd.s32 $0xFFFFF000  }
0x3d: {  	_ =	swait.ge [sflag:s28], $0x1000  }
0x3e: {  	[sflag:s28] =	ssyncset.done $0x0  }
0x3f: {  	[sflag:s28] =	ssyncadd.s32 $0xFFFFF000  }
0x40: {  	_ =	swait.ge [sflag:s28], $0x1000  }
0x41: {  	[sflag:s28] =	ssyncset.done $0x0  }
0x42: {  	[sflag:s28] =	ssyncadd.s32 $0xFFFFF000  }
0x43: {  	_ =	swait.ge [sflag:s28], $0x1000  }
0x44: {  	s29 =	ssub.s32 $0x2, s29;
	[sflag:s28] =	ssyncset.done $0x0  }
0x45: {  	s30 =	sshrl.u32 s29, $0x1;
	[sflag:s28] =	ssyncadd.s32 $0xFFFFF000  }
0x46: {  	s29 =	ssub.s32 s29, s30;
	_ =	swait.ge [sflag:s28], $0x1000  }
0x47: {  	s29 =	smax.u32 s29, $0x1;
	[sflag:s28] =	ssyncset.done $0x0  }
0x48: {  	p0 =	sne.s32 s29, $0x1;
	[sflag:s28] =	ssyncadd.s32 $0xFFFFF000  }
.Ltmp0:
0x49: {  	_ =	swait.ge [sflag:s28], $0x1000;
	(pc) =	sbr.rel @!p0 .LBB2_2-.Ltmp0, $4  }
0x4a: {  	[sflag:s28] =	ssyncset.done $0x0  }
0x4b: {  	[sflag:s28] =	ssyncadd.s32 $0xFFFFF000  }
0x4c: {  	_ =	swait.ge [sflag:s28], $0x1000  }
0x4d: {  	s29 =	sadd.s32 $0xFFFFFFFF, s29;
	[sflag:s28] =	ssyncset.done $0x0  }
.LBB2_1:
0x4e: {  	p0 =	sne.s32 s29, $0x1;
	s29 =	sadd.s32 $0xFFFFFFFF, s29;
	[sflag:s28] =	ssyncadd.s32 $0xFFFFF000  }
0x4f: {  	[tilespmem:s2], [sflag:$0x1] =	stream.linear.gather [hbm4b:s3+s2], $0x1000, $0x38;
	[tilespmem:$0x8000] =	vst v63  }
0x50: {  	_ = 	snop  }
0x51: {  	[tilespmem:s5], [sflag:$0x1] =	stream.linear.gather [hbm4b:s4+s2], $0x1000, $0x38;
	[tilespmem:$0x8000] =	vst v63  }
0x52: {  	_ = 	snop  }
0x53: {  	[tilespmem:s7], [sflag:$0x1] =	stream.linear.gather [hbm4b:s6+s2], $0x1000, $0x38;
	[tilespmem:$0x8000] =	vst v63  }
0x54: {  	_ = 	snop  }
0x55: {  	[tilespmem:s9], [sflag:$0x1] =	stream.linear.gather [hbm4b:s8+s2], $0x1000, $0x38;
	[tilespmem:$0x8000] =	vst v63  }
0x56: {  	_ = 	snop  }
0x57: {  	[tilespmem:s11], [sflag:$0x1] =	stream.linear.gather [hbm4b:s10+s2], $0x1000, $0x38;
	[tilespmem:$0x8000] =	vst v63  }
0x58: {  	_ = 	snop  }
0x59: {  	[tilespmem:s13], [sflag:$0x1] =	stream.linear.gather [hbm4b:s12+s2], $0x1000, $0x38;
	[tilespmem:$0x8000] =	vst v63  }
0x5a: {  	_ = 	snop  }
0x5b: {  	[tilespmem:s15], [sflag:$0x1] =	stream.linear.gather [hbm4b:s14+s2], $0x1000, $0x38;
	[tilespmem:$0x8000] =	vst v63  }
0x5c: {  	_ = 	snop  }
0x5d: {  	[tilespmem:s17], [sflag:$0x1] =	stream.linear.gather [hbm4b:s16+s2], $0x1000, $0x38;
	[tilespmem:$0x8000] =	vst v63  }
0x5e: {  	_ =	swait.ge [sflag:s18], $0x1000  }
0x5f: {  	[sflag:s18] =	ssyncset.done $0x0  }
0x60: {  	[sflag:s18] =	ssyncadd.s32 $0xFFFFF000  }
0x61: {  	[hbm4b:s19+s2] =	stream.linear.scatter [tilespmem:s2], [sflag:$0x2], $0x1000, $0x38;
	[tilespmem:$0x8000] =	vst v63  }
0x62: {  	_ =	swait.ge [sflag:s18], $0x1000  }
0x63: {  	[sflag:s18] =	ssyncset.done $0x0  }
0x64: {  	[sflag:s18] =	ssyncadd.s32 $0xFFFFF000  }
0x65: {  	[hbm4b:s20+s2] =	stream.linear.scatter [tilespmem:s5], [sflag:$0x2], $0x1000, $0x38;
	[tilespmem:$0x8000] =	vst v63  }
0x66: {  	_ =	swait.ge [sflag:s18], $0x1000  }
0x67: {  	[sflag:s18] =	ssyncset.done $0x0  }
0x68: {  	[sflag:s18] =	ssyncadd.s32 $0xFFFFF000  }
0x69: {  	[hbm4b:s21+s2] =	stream.linear.scatter [tilespmem:s7], [sflag:$0x2], $0x1000, $0x38;
	[tilespmem:$0x8000] =	vst v63  }
0x6a: {  	_ =	swait.ge [sflag:s18], $0x1000  }
0x6b: {  	[sflag:s18] =	ssyncset.done $0x0  }
0x6c: {  	[sflag:s18] =	ssyncadd.s32 $0xFFFFF000  }
0x6d: {  	[hbm4b:s22+s2] =	stream.linear.scatter [tilespmem:s9], [sflag:$0x2], $0x1000, $0x38;
	[tilespmem:$0x8000] =	vst v63  }
0x6e: {  	_ =	swait.ge [sflag:s18], $0x1000  }
0x6f: {  	[sflag:s18] =	ssyncset.done $0x0  }
0x70: {  	[sflag:s18] =	ssyncadd.s32 $0xFFFFF000  }
0x71: {  	[hbm4b:s23+s2] =	stream.linear.scatter [tilespmem:s11], [sflag:$0x2], $0x1000, $0x38;
	[tilespmem:$0x8000] =	vst v63  }
0x72: {  	_ =	swait.ge [sflag:s18], $0x1000  }
0x73: {  	[sflag:s18] =	ssyncset.done $0x0  }
0x74: {  	[sflag:s18] =	ssyncadd.s32 $0xFFFFF000  }
0x75: {  	[hbm4b:s24+s2] =	stream.linear.scatter [tilespmem:s13], [sflag:$0x2], $0x1000, $0x38;
	[tilespmem:$0x8000] =	vst v63  }
0x76: {  	_ =	swait.ge [sflag:s18], $0x1000  }
0x77: {  	[sflag:s18] =	ssyncset.done $0x0  }
0x78: {  	[sflag:s18] =	ssyncadd.s32 $0xFFFFF000  }
0x79: {  	[hbm4b:s25+s2] =	stream.linear.scatter [tilespmem:s15], [sflag:$0x2], $0x1000, $0x38;
	[tilespmem:$0x8000] =	vst v63  }
0x7a: {  	_ =	swait.ge [sflag:s18], $0x1000  }
0x7b: {  	[sflag:s18] =	ssyncset.done $0x0  }
0x7c: {  	[sflag:s18] =	ssyncadd.s32 $0xFFFFF000  }
0x7d: {  	[hbm4b:s26+s2] =	stream.linear.scatter [tilespmem:s17], [sflag:$0x2], $0x1000, $0x38;
	[tilespmem:$0x8000] =	vst v63  }
0x7e: {  	_ =	swait.ge [sflag:s28], $0x1000  }
0x7f: {  	[sflag:s28] =	ssyncset.done $0x0  }
0x80: {  	[sflag:s28] =	ssyncadd.s32 $0xFFFFF000  }
0x81: {  	_ =	swait.ge [sflag:s28], $0x1000  }
0x82: {  	[sflag:s28] =	ssyncset.done $0x0  }
0x83: {  	[sflag:s28] =	ssyncadd.s32 $0xFFFFF000  }
0x84: {  	_ =	swait.ge [sflag:s28], $0x1000  }
0x85: {  	[sflag:s28] =	ssyncset.done $0x0  }
0x86: {  	[sflag:s28] =	ssyncadd.s32 $0xFFFFF000  }
0x87: {  	_ =	swait.ge [sflag:s28], $0x1000  }
0x88: {  	[sflag:s28] =	ssyncset.done $0x0  }
0x89: {  	[sflag:s28] =	ssyncadd.s32 $0xFFFFF000  }
0x8a: {  	_ =	swait.ge [sflag:s28], $0x1000  }
0x8b: {  	[sflag:s28] =	ssyncset.done $0x0  }
0x8c: {  	[sflag:s28] =	ssyncadd.s32 $0xFFFFF000  }
0x8d: {  	_ =	swait.ge [sflag:s28], $0x1000  }
0x8e: {  	[sflag:s28] =	ssyncset.done $0x0  }
0x8f: {  	[sflag:s28] =	ssyncadd.s32 $0xFFFFF000  }
.Ltmp1:
0x90: {  	_ =	swait.ge [sflag:s28], $0x1000;
	(pc) =	sbr.rel @p0 .LBB2_1-.Ltmp1, $4  }
0x91: {  	[sflag:s28] =	ssyncset.done $0x0  }
0x92: {  	[sflag:s28] =	ssyncadd.s32 $0xFFFFF000  }
0x93: {  	_ =	swait.ge [sflag:s28], $0x1000  }
0x94: {  	[sflag:s28] =	ssyncset.done $0x0  }
.LBB2_2:
0x95: {  	[sflag:s28] =	ssyncadd.s32 $0xFFFFF000  }
0x96: {  	_ =	sfence.sel $0x180000  }
0x97: {  	[bflag:$0x0] =	sbarrier.arrive $0xFFFF  }
0x98: {  	p0 =	sne.s32 s1, $0x0;
	_ =	strace $0x90000047  }
0x99: {  	s0 =	sadd.s32 @!p0 $0x100000, s0;
	[bflag:$0x2] =	sbarrier.arrive $0xFFFF  }
0x9a: {  	[sflag:s0] =	ssyncadd.tile.s32 @!p0 $0x1;
	_ =	shalt  }
.Lfunc_end2:
_tile_overlayer_lowered:
.L_overlay_start_2:
0x9b: {  	(tag) =	ssettag $0x2  }
0x9c: {  	s0 =	rddreg [dreg:$0x0];
	s2 =	stileid.u32  }
0x9d: {  	s1 =	rddreg [dreg:$0x1];
	p0 =	sne.s32 s2, $0x0  }
0x9e: {  	s3 =	rddreg [dreg:$0x2];
	[bflag:$0x3] =	sbarrier.arrive $0xFFFF;
	s2 =	simm.s32 @!p0 $0x1C03  }
0x9f: {  	[timem:s3], [sflag:s2] =	dma.local @!p0 [hbm:s0], s1  }
0xa0: {  	s0 =	simm.s32 @!p0 $0x3  }
0xa1: {  	_ =	swait.ge @!p0 [sflag:s0], s1  }
0xa2: {  	s1 =	ssub.s32 @!p0 $0x0, s1;
	[sflag:s0] =	ssyncset.done @!p0 $0x0  }
0xa3: {  	[sflag:s0] =	ssyncadd.s32 @!p0 s1  }
0xa4: {  	[bflag:$0x3] =	sbarrier.arrive $0xFFFF  }
0xa5: {  	_ =	shalt  }

</sc_bundles>
